<compile_context>
chip_gen: v7x
topology: tpu7x:2x2x1
jax: 0.10.2.dev20260603
libtpu: 0.0.44.dev20260713+nightly
codegen_flags: <defaults>
</compile_context>

<pallas_src>
import functools

import jax
import jax.numpy as jnp
from jax import lax
from jax.experimental import pallas as pl
from jax.experimental.pallas import tpu as pltpu
from jax.experimental.pallas import tpu_sc as plsc

N_I1 = 50000; N_I2 = 16384; N_U1 = 8192; N_U2 = 4096

_NW = 32
_H = 128


@functools.partial(jax.jit, static_argnames=("n_valid",))
def _gather_rows(table, idx, n_valid=None):
    B = idx.shape[0]
    if B % (_NW * _H) != 0:
        pad = _NW * _H - B % (_NW * _H)
        idx = jnp.concatenate([idx, jnp.zeros((pad,), jnp.int32)])
        B = idx.shape[0]
    per_w = B // _NW
    nb = per_w // _H
    mesh = plsc.VectorSubcoreMesh(core_axis_name="c", subcore_axis_name="s")

    @functools.partial(
        pl.kernel,
        out_type=jax.ShapeDtypeStruct((B, _H), jnp.float32),
        mesh=mesh,
        compiler_params=pltpu.CompilerParams(needs_layout_passes=False),
        scratch_types=[
            pltpu.VMEM((per_w,), jnp.int32),
            pltpu.VMEM((_H, _H), jnp.float32),
            pltpu.SemaphoreType.DMA,
        ],
    )
    def k(table_hbm, idx_hbm, out_hbm, idx_v, rows_v, sem):
        wid = lax.axis_index("s") * 2 + lax.axis_index("c")
        base = wid * per_w
        pltpu.sync_copy(idx_hbm.at[pl.ds(base, per_w)], idx_v)

        def body(b, carry):
            pltpu.async_copy(
                table_hbm.at[idx_v.at[pl.ds(b * _H, _H)]], rows_v, sem
            ).wait()
            pltpu.sync_copy(rows_v, out_hbm.at[pl.ds(base + b * _H, _H)])
            return carry

        lax.fori_loop(0, nb, body, 0, unroll=False)

    out = k(table, idx)
    if n_valid is not None and n_valid != B:
        out = out[:n_valid]
    return out


_W = 2048


@functools.partial(jax.jit, static_argnames=("R", "S"))
def _sc_segsum(table, src, dst, R, S):
    E = src.shape[0]
    C = -(-E // (16 * _W)) * _W
    epad = 16 * C - E
    if epad:
        src = jnp.concatenate([src, jnp.zeros((epad,), jnp.int32)])
        dst = jnp.concatenate([dst, jnp.full((epad,), 2**30, jnp.int32)])
    nwin = C // _W
    rps = R // 2
    ssl = S // 16
    Z = ssl + 16
    mesh = plsc.VectorSubcoreMesh(core_axis_name="c", subcore_axis_name="s")

    @functools.partial(
        pl.kernel,
        out_type=(jax.ShapeDtypeStruct((R * S, _H), jnp.float32),
                  jax.ShapeDtypeStruct((R * S,), jnp.float32)),
        mesh=mesh,
        compiler_params=pltpu.CompilerParams(needs_layout_passes=False),
        scratch_types=[
            pltpu.VMEM((_W,), jnp.int32),
            pltpu.VMEM((_W,), jnp.int32),
            pltpu.VMEM((_W + 512,), jnp.int32),
            pltpu.VMEM((_W + 512,), jnp.int32),
            pltpu.VMEM((_H,), jnp.int32),
            pltpu.VMEM((_H, _H), jnp.float32),
            pltpu.VMEM((S + 16,), jnp.float32),
            pltpu.VMEM((S // 16,), jnp.float32),
            pltpu.VMEM((S // 16,), jnp.float32),
            pltpu.VMEM_SHARED((S + 256, _H), jnp.float32),
            pltpu.VMEM_SHARED((16 * S,), jnp.float32),
            pltpu.SemaphoreType.DMA,
            pltpu.SemaphoreType.DMA,
        ],
    )
    def k(table_hbm, src_hbm, dst_hbm, zeros_hbm, sum_hbm, deg_hbm,
          swin, dwin, svc, dvc, dsA, rowsA, degloc, degtmp,
          degout, acc_sh, degmat, semA, semB):
        cid = lax.axis_index("c")
        t = lax.axis_index("s")
        z16 = jnp.zeros((16,), jnp.float32)
        ones16 = jnp.ones((16,), jnp.float32)

        def zdeg_body(i, carry):
            degloc[pl.ds(i * 16, 16)] = z16
            return carry

        def fill_body(i, carry):
            svc[pl.ds(i * 16, 16)] = jnp.zeros((16,), jnp.int32)
            dvc[pl.ds(i * 16, 16)] = jnp.full((16,), S, jnp.int32)
            return carry
        lax.fori_loop(0, (_W + 512) // 16, fill_body, 0, unroll=False)

        for r in range(rps):
            rg = cid * rps + r
            lo = rg * S

            zb = t * Z
            nfull, rem = Z // _H, Z % _H
            for q in range(nfull):
                pltpu.sync_copy(zeros_hbm, acc_sh.at[pl.ds(zb + q * _H, _H)])
            if rem:
                pltpu.sync_copy(zeros_hbm.at[pl.ds(0, rem)],
                                acc_sh.at[pl.ds(zb + nfull * _H, rem)])
            lax.fori_loop(0, (S + 16) // 16, zdeg_body, 0, unroll=False)
            plsc.subcore_barrier()

            def win_body(w, carry):
                eb = t * C + w * _W
                cps = pltpu.async_copy(src_hbm.at[pl.ds(eb, _W)], swin, semA)
                cpd = pltpu.async_copy(dst_hbm.at[pl.ds(eb, _W)], dwin, semB)
                cps.wait()
                cpd.wait()

                lane15 = jnp.full((16,), 15, jnp.int32)

                def vec_body(j, m_v):
                    s16 = swin[pl.ds(j * 16, 16)]
                    d16 = dwin[pl.ds(j * 16, 16)]
                    in_r = (d16 >= lo) & (d16 < lo + S)
                    mi = in_r.astype(jnp.int32)
                    cs = plsc.cumsum(mi)
                    pos = m_v + cs - mi
                    plsc.store_scatter(svc, [pos], s16, mask=in_r)
                    plsc.store_scatter(dvc, [pos], d16 - lo, mask=in_r)
                    plsc.addupdate_scatter(degloc, [d16 - lo], ones16,
                                           mask=in_r)
                    return m_v + cs[lane15]

                m_v = lax.fori_loop(0, _W // 16, vec_body,
                                    jnp.zeros((16,), jnp.int32),
                                    unroll=False)
                cnt = m_v[0]

                for j in range(8):
                    svc[pl.ds(cnt + j * 16, 16)] = jnp.zeros((16,), jnp.int32)
                    dvc[pl.ds(cnt + j * 16, 16)] = jnp.full((16,), S,
                                                            jnp.int32)

                def flush_body(b, carry):
                    pltpu.async_copy(
                        table_hbm.at[svc.at[pl.ds(b * _H, _H)]], rowsA,
                        semA).wait()
                    for j in range(8):
                        dsA[pl.ds(j * 16, 16)] = dvc[pl.ds(b * _H + j * 16,
                                                           16)]
                    pltpu.sync_copy(rowsA, acc_sh.at[dsA], add=True)
                    return carry

                nb = (cnt + _H - 1) // _H
                lax.fori_loop(0, nb, flush_body, 0, unroll=False)
                return carry

            lax.fori_loop(0, nwin, win_body, 0, unroll=False)
            pltpu.sync_copy(degloc.at[pl.ds(0, S)],
                            degmat.at[pl.ds(t * S, S)])
            plsc.subcore_barrier()

            fb = t * ssl
            pltpu.sync_copy(acc_sh.at[pl.ds(fb, ssl)],
                            sum_hbm.at[pl.ds(lo + fb, ssl)])
            pltpu.sync_copy(degmat.at[pl.ds(fb, ssl)], degout)

            def red_body(kk, carry):
                pltpu.sync_copy(degmat.at[pl.ds(kk * S + fb, ssl)], degtmp)

                def add_body(i, carry2):
                    degout[pl.ds(i * 16, 16)] = (
                        degout[pl.ds(i * 16, 16)]
                        + degtmp[pl.ds(i * 16, 16)])
                    return carry2

                lax.fori_loop(0, ssl // 16, add_body, 0, unroll=False)
                return carry

            lax.fori_loop(1, 16, red_body, 0, unroll=False)
            pltpu.sync_copy(degout, deg_hbm.at[pl.ds(lo + fb, ssl)])
            plsc.subcore_barrier()

    return k(table, src, dst, jnp.zeros((_H, _H), jnp.float32))


def _segmean(h_src, src, dst, num_dst, R, S):
    agg, deg = _sc_segsum(h_src, src, dst, R, S)
    return agg, deg.reshape(-1, 1)


_WSPEC = pl.BlockSpec((_H, _H), lambda i: (0, 0))
_BSPEC = pl.BlockSpec((1, _H), lambda i: (0, 0))


def _row_spec(bk):
    return pl.BlockSpec((bk, _H), lambda i: (i, 0))


def _sage_dual(xd, agg, deg, W1s, W1n, b1, W2s, W2n, b2, n, bk):
    def body(xd_ref, agg_ref, deg_ref, w1s, w1n, bb1, w2s, w2n, bb2,
             o1_ref, o2_ref):
        m = agg_ref[...] / jnp.maximum(deg_ref[...], 1.0)
        xv = xd_ref[...]
        o1_ref[...] = jnp.maximum(
            jnp.dot(xv, w1s[...], preferred_element_type=jnp.float32,
                      precision=jax.lax.Precision.HIGHEST)
            + jnp.dot(m, w1n[...], preferred_element_type=jnp.float32,
                      precision=jax.lax.Precision.HIGHEST)
            + bb1[...], 0.0)
        o2_ref[...] = jnp.maximum(
            jnp.dot(xv, w2s[...], preferred_element_type=jnp.float32,
                      precision=jax.lax.Precision.HIGHEST)
            + jnp.dot(m, w2n[...], preferred_element_type=jnp.float32,
                      precision=jax.lax.Precision.HIGHEST)
            + bb2[...], 0.0)

    return pl.pallas_call(
        body,
        grid=(n // bk,),
        in_specs=[_row_spec(bk), _row_spec(bk),
                  pl.BlockSpec((bk, 1), lambda i: (i, 0)),
                  _WSPEC, _WSPEC, pl.BlockSpec((1, _H), lambda i: (0, 0)),
                  _WSPEC, _WSPEC, pl.BlockSpec((1, _H), lambda i: (0, 0))],
        out_specs=[_row_spec(bk), _row_spec(bk)],
        out_shape=[jax.ShapeDtypeStruct((n, _H), jnp.float32),
                   jax.ShapeDtypeStruct((n, _H), jnp.float32)],
    )(xd, agg, deg, W1s, W1n, b1.reshape(1, _H), W2s, W2n,
      b2.reshape(1, _H))


def _sage_one(xd, agg, deg, Ws, Wn, b, n, bk, lin_W=None, lin_b=None):
    fuse = lin_W is not None

    def body(*refs):
        if fuse:
            (xd_ref, agg_ref, deg_ref, ws, wn, bb, wl, bl, o_ref) = refs
        else:
            (xd_ref, agg_ref, deg_ref, ws, wn, bb, o_ref) = refs
        m = agg_ref[...] / jnp.maximum(deg_ref[...], 1.0)
        y = jnp.maximum(
            jnp.dot(xd_ref[...], ws[...], preferred_element_type=jnp.float32,
                      precision=jax.lax.Precision.HIGHEST)
            + jnp.dot(m, wn[...], preferred_element_type=jnp.float32,
                      precision=jax.lax.Precision.HIGHEST)
            + bb[...], 0.0)
        if fuse:
            y = jnp.dot(y, wl[...], preferred_element_type=jnp.float32,
                      precision=jax.lax.Precision.HIGHEST) \
                + bl[...]
        o_ref[...] = y

    in_specs = [_row_spec(bk), _row_spec(bk),
                pl.BlockSpec((bk, 1), lambda i: (i, 0)),
                _WSPEC, _WSPEC, pl.BlockSpec((1, _H), lambda i: (0, 0))]
    args = [xd, agg, deg, Ws, Wn, b.reshape(1, _H)]
    if fuse:
        in_specs += [_WSPEC, pl.BlockSpec((1, _H), lambda i: (0, 0))]
        args += [lin_W, lin_b.reshape(1, _H)]
    return pl.pallas_call(
        body,
        grid=(n // bk,),
        in_specs=in_specs,
        out_specs=_row_spec(bk),
        out_shape=jax.ShapeDtypeStruct((n, _H), jnp.float32),
    )(*args)


def _decoder(zs, zd, W1a, W1b, b1, W2p, b2p, n, bk):
    def body(zs_ref, zd_ref, w1a, w1b, bb1, w2, bb2, o_ref):
        z1 = jnp.maximum(
            jnp.dot(zs_ref[...], w1a[...], preferred_element_type=jnp.float32,
                      precision=jax.lax.Precision.HIGHEST)
            + jnp.dot(zd_ref[...], w1b[...],
                      preferred_element_type=jnp.float32,
                      precision=jax.lax.Precision.HIGHEST)
            + bb1[...], 0.0)
        o_ref[...] = jnp.dot(z1, w2[...],
                             preferred_element_type=jnp.float32,
                      precision=jax.lax.Precision.HIGHEST) + bb2[...]

    return pl.pallas_call(
        body,
        grid=(n // bk,),
        in_specs=[_row_spec(bk), _row_spec(bk), _WSPEC, _WSPEC,
                  pl.BlockSpec((1, _H), lambda i: (0, 0)),
                  pl.BlockSpec((_H, 8), lambda i: (0, 0)),
                  pl.BlockSpec((1, 8), lambda i: (0, 0))],
        out_specs=pl.BlockSpec((bk, 8), lambda i: (i, 0)),
        out_shape=jax.ShapeDtypeStruct((n, 8), jnp.float32),
    )(zs, zd, W1a, W1b, b1.reshape(1, _H), W2p, b2p)


def kernel(item_ids, user_ids, ii0_src, ii0_dst, ii1_src, ii1_dst,
           iu0_src, iu0_dst, iu1_src, iu1_dst,
           pos_src, pos_dst, neg_src, neg_dst,
           item_emb_w, user_emb_w,
           ie1_Ws, ie1_Wn, ie1_b, ie2_Ws, ie2_Wn, ie2_b,
           ue1_Ws, ue1_Wn, ue1_b, ue2_Ws, ue2_Wn, ue2_b,
           ue3_Ws, ue3_Wn, ue3_b, lin_W, lin_b,
           dec1_W, dec1_b, dec2_W, dec2_b):
    x_item = _gather_rows(item_emb_w, item_ids)
    x_user = _gather_rows(user_emb_w, user_ids)
    agg0, deg0 = _segmean(x_item, ii0_src, ii0_dst, N_I1, R=6, S=8448)
    h, item_x = _sage_dual(x_item, agg0, deg0,
                           ie1_Ws, ie1_Wn, ie1_b, ue1_Ws, ue1_Wn, ue1_b,
                           n=N_I1, bk=2000)
    agg1, deg1 = _segmean(h, ii1_src, ii1_dst, N_I2, R=2, S=8192)
    z_item = _sage_one(h, agg1, deg1, ie2_Ws, ie2_Wn, ie2_b,
                       n=N_I2, bk=2048)
    agg2, deg2 = _segmean(x_item, iu0_src, iu0_dst, N_U1, R=2, S=4096)
    user_x = _sage_one(x_user, agg2, deg2, ue2_Ws, ue2_Wn, ue2_b,
                       n=N_U1, bk=2048)
    agg3, deg3 = _segmean(item_x, iu1_src, iu1_dst, N_U2, R=2, S=2048)
    z_user = _sage_one(user_x, agg3, deg3, ue3_Ws, ue3_Wn, ue3_b,
                       n=N_U2, bk=2048, lin_W=lin_W, lin_b=lin_b)
    z_src_all = _gather_rows(z_user, jnp.concatenate([pos_src, neg_src]))
    z_dst_all = _gather_rows(z_item, jnp.concatenate([pos_dst, neg_dst]))
    W2p = jnp.pad(dec2_W, ((0, 0), (0, 7)))
    b2p = jnp.pad(dec2_b, (0, 7)).reshape(1, 8)
    out = _decoder(z_src_all, z_dst_all, dec1_W[:_H], dec1_W[_H:],
                   dec1_b, W2p, b2p, n=2 * pos_src.shape[0], bk=2048)
    return out[:, 0]

# --- scband reference (transcript-rebuilt; emitter-appended) ---
"""Pipeline reference for scband-model-16484084482977 (READ-ONLY COPY).

The authoritative reference and input builder live on the scoring server;
editing this copy changes nothing except your own understanding.
"""

import jax, jax.numpy as jnp
import numpy as np

NU = 100000; NI = 100000; H = 128; OUT = 128
N_I0 = 200000; N_I1 = 50000; N_I2 = 16384; N_U1 = 8192; N_U2 = 4096
E_II0 = 600000; E_II1 = 262144; E_IU0 = 131072; E_IU1 = 65536; E_PG = 8192


def _sage(h_src, h_dst, src, dst, num_dst, Ws, Wn, b):
    # DGL SAGEConv('mean'): fc_self(h_dst) + fc_neigh(mean_{in-edges} h_src) + bias
    msg = jnp.take(h_src, src, axis=0)
    agg = jax.ops.segment_sum(msg, dst, num_segments=num_dst)
    deg = jax.ops.segment_sum(jnp.ones((dst.shape[0],), jnp.float32), dst, num_segments=num_dst)
    mean = agg / jnp.maximum(deg, 1.0)[:, None]
    return h_dst @ Ws + mean @ Wn + b


def setup_inputs(seed: int = 0):
    key = jax.random.key(seed)
    k = lambda i: jax.random.fold_in(key, i)
    def ri(i, n, hi):
        return jax.random.randint(k(i), (n,), 0, hi)
    def rn(i, shape):
        return jax.random.normal(k(i), shape, dtype=jnp.float32) * 0.05
    inp = {
        'item_ids': ri(0, N_I0, NI),
        'user_ids': ri(1, N_U1, NU),
        'ii0_src': ri(2, E_II0, N_I0), 'ii0_dst': ri(3, E_II0, N_I1),
        'ii1_src': ri(4, E_II1, N_I1), 'ii1_dst': ri(5, E_II1, N_I2),
        'iu0_src': ri(6, E_IU0, N_I0), 'iu0_dst': ri(7, E_IU0, N_U1),
        'iu1_src': ri(8, E_IU1, N_I1), 'iu1_dst': ri(9, E_IU1, N_U2),
        'pos_src': ri(10, E_PG, N_U2), 'pos_dst': ri(11, E_PG, N_I2),
        'neg_src': ri(12, E_PG, N_U2), 'neg_dst': ri(13, E_PG, N_I2),
        # learned parameters
        'item_emb_w': rn(14, (NI, H)), 'user_emb_w': rn(15, (NU, H)),
        'ie1_Ws': rn(16, (H, H)), 'ie1_Wn': rn(17, (H, H)), 'ie1_b': jnp.zeros((H,), jnp.float32),
        'ie2_Ws': rn(18, (H, OUT)), 'ie2_Wn': rn(19, (H, OUT)), 'ie2_b': jnp.zeros((OUT,), jnp.float32),
        'ue1_Ws': rn(20, (H, H)), 'ue1_Wn': rn(21, (H, H)), 'ue1_b': jnp.zeros((H,), jnp.float32),
        'ue2_Ws': rn(22, (H, H)), 'ue2_Wn': rn(23, (H, H)), 'ue2_b': jnp.zeros((H,), jnp.float32),
        'ue3_Ws': rn(24, (H, H)), 'ue3_Wn': rn(25, (H, H)), 'ue3_b': jnp.zeros((H,), jnp.float32),
        'lin_W': rn(26, (H, OUT)), 'lin_b': jnp.zeros((OUT,), jnp.float32),
        'dec1_W': rn(27, (2 * OUT, OUT)), 'dec1_b': jnp.zeros((OUT,), jnp.float32),
        'dec2_W': rn(28, (OUT, 1)), 'dec2_b': jnp.zeros((1,), jnp.float32),
    }
    return inp


def reference(item_ids, user_ids, ii0_src, ii0_dst, ii1_src, ii1_dst,
              iu0_src, iu0_dst, iu1_src, iu1_dst,
              pos_src, pos_dst, neg_src, neg_dst,
              item_emb_w, user_emb_w,
              ie1_Ws, ie1_Wn, ie1_b, ie2_Ws, ie2_Wn, ie2_b,
              ue1_Ws, ue1_Wn, ue1_b, ue2_Ws, ue2_Wn, ue2_b,
              ue3_Ws, ue3_Wn, ue3_b, lin_W, lin_b,
              dec1_W, dec1_b, dec2_W, dec2_b):
    # embedding lookups (blocks[0].srcdata/dstdata node ids)
    x_item = jnp.take(item_emb_w, item_ids, axis=0)   # [N_I0, H]
    x_user = jnp.take(user_emb_w, user_ids, axis=0)   # [N_U1, H]
    # ItemGNNEncoder
    h = jax.nn.relu(_sage(x_item, x_item[:N_I1], ii0_src, ii0_dst, N_I1, ie1_Ws, ie1_Wn, ie1_b))
    z_item = jax.nn.relu(_sage(h, h[:N_I2], ii1_src, ii1_dst, N_I2, ie2_Ws, ie2_Wn, ie2_b))
    # UserGNNEncoder
    item_x = jax.nn.relu(_sage(x_item, x_item[:N_I1], ii0_src, ii0_dst, N_I1, ue1_Ws, ue1_Wn, ue1_b))
    user_x = jax.nn.relu(_sage(x_item, x_user, iu0_src, iu0_dst, N_U1, ue2_Ws, ue2_Wn, ue2_b))
    user_x = user_x[:N_U2]
    user_x = jax.nn.relu(_sage(item_x, user_x, iu1_src, iu1_dst, N_U2, ue3_Ws, ue3_Wn, ue3_b))
    z_user = user_x @ lin_W + lin_b
    # EdgeDecoder on pos/neg 'u_i' edges
    z_src_all = jnp.concatenate([jnp.take(z_user, pos_src, axis=0), jnp.take(z_user, neg_src, axis=0)], axis=0)
    z_dst_all = jnp.concatenate([jnp.take(z_item, pos_dst, axis=0), jnp.take(z_item, neg_dst, axis=0)], axis=0)
    z = jnp.concatenate([z_src_all, z_dst_all], axis=-1)
    z = jax.nn.relu(z @ dec1_W + dec1_b)
    z = z @ dec2_W + dec2_b
    return z.reshape(-1)

if __name__ == "__main__":
    import jax
    _d = setup_inputs()
    print(jax.jit(kernel)(*tuple(_d.values())))

</pallas_src>

<mosaic_0001>
#map = affine_map<(d0, d1) -> (0, 0)>
#map1 = affine_map<(d0, d1) -> (0)>
module attributes {stable_mosaic.version = 14 : i64} {
  func.func @k(%arg0: i32, %arg1: i32, %arg2: memref<100000x128xf32, #tpu.memory_space<hbm>>, %arg3: memref<200704xi32, #tpu.memory_space<hbm>>, %arg4: memref<200704x128xf32, #tpu.memory_space<hbm>>, %arg5: memref<6272xi32, #tpu.memory_space<vmem>>, %arg6: memref<128x128xf32, #tpu.memory_space<vmem>>, %arg7: memref<!tpu.dma_semaphore, #tpu.memory_space<semaphore_mem>>) attributes {dimension_semantics = [#tpu.dimension_semantics<core_parallel>, #tpu.dimension_semantics<subcore_parallel>], iteration_bounds = array<i64: 2, 16>, scalar_prefetch = 0 : i64, scratch_operands = 3 : i64, tpu.core_type = #tpu.core_type<sc_vector_subcore>, window_params = [{transform_indices = #map}, {transform_indices = #map1}, {transform_indices = #map}]} {
    %mul3A = arith.constant 2 : i32
    %mul3A_0 = arith.muli %arg1, %mul3A : i32
    %add3A = arith.addi %mul3A_0, %arg0 : i32
    %mul3A_1 = arith.constant 6272 : i32
    %mul3A_2 = arith.muli %add3A, %mul3A_1 : i32
    "tpu.region"() ({
      %run_scoped3A = tpu.sem_alloc : memref<!tpu.dma_semaphore, #tpu.memory_space<semaphore_mem>>
      %dma_start3A = tpu.memref_slice %arg3[%mul3A_2] : memref<200704xi32, #tpu.memory_space<hbm>> -> memref<6272xi32, #tpu.memory_space<hbm>>
      %dma_start3A_8 = tpu.memref_slice %arg3[%mul3A_2] : memref<200704xi32, #tpu.memory_space<hbm>> -> memref<6272xi32, #tpu.memory_space<hbm>>
      tpu.enqueue_dma source(%dma_start3A_8 : memref<6272xi32, #tpu.memory_space<hbm>>) target(%arg5 : memref<6272xi32, #tpu.memory_space<vmem>>) target_semaphore(%run_scoped3A : memref<!tpu.dma_semaphore, #tpu.memory_space<semaphore_mem>>)
      %dma_wait3A = tpu.memref_slice %arg3[%mul3A_2] : memref<200704xi32, #tpu.memory_space<hbm>> -> memref<6272xi32, #tpu.memory_space<hbm>>
      %dma_wait3A_9 = tpu.memref_slice %arg3[%mul3A_2] : memref<200704xi32, #tpu.memory_space<hbm>> -> memref<6272xi32, #tpu.memory_space<hbm>>
      tpu.wait_dma2 semaphore(%run_scoped3A : memref<!tpu.dma_semaphore, #tpu.memory_space<semaphore_mem>>) src(%dma_wait3A_9 : memref<6272xi32, #tpu.memory_space<hbm>>) dst(%arg5 : memref<6272xi32, #tpu.memory_space<vmem>>)
      tpu.yield
    }) : () -> ()
    %scan3A = arith.constant 0 : i32
    %scan3A_3 = arith.constant 0 : i32
    %scan3A_4 = arith.constant 49 : i32
    %scan3A_5 = arith.addi %scan3A_3, %scan3A_4 : i32
    %scan3A_6 = arith.constant 1 : i32
    scf.for %scan3A_8 = %scan3A_3 to %scan3A_5 step %scan3A_6  : i32 {
      %mul3A_9 = arith.constant 128 : i32
      %mul3A_10 = arith.muli %scan3A_8, %mul3A_9 : i32
      %dma_start3A = tpu.memref_slice %arg5[%mul3A_10] : memref<6272xi32, #tpu.memory_space<vmem>> -> memref<128xi32, #tpu.memory_space<vmem>>
      %dma_start3A_11 = arith.constant 0 : i32
      %dma_start3A_12 = arith.constant 0 : i32
      %dma_start3A_13 = tpu.memref_slice %arg2[%dma_start3A_11, %dma_start3A_12] : memref<100000x128xf32, #tpu.memory_space<hbm>> -> memref<100000x128xf32, #tpu.memory_space<hbm>>
      tpu.enqueue_indirect_dma source(%dma_start3A_13 : memref<100000x128xf32, #tpu.memory_space<hbm>>) target(%arg6 : memref<128x128xf32, #tpu.memory_space<vmem>>) offsets(%dma_start3A : memref<128xi32, #tpu.memory_space<vmem>>) semaphore(%arg7 : memref<!tpu.dma_semaphore, #tpu.memory_space<semaphore_mem>>)
      %dma_wait3A = tpu.memref_slice %arg5[%mul3A_10] : memref<6272xi32, #tpu.memory_space<vmem>> -> memref<128xi32, #tpu.memory_space<vmem>>
      %dma_wait3A_14 = arith.constant 0 : i32
      %dma_wait3A_15 = arith.constant 0 : i32
      %dma_wait3A_16 = tpu.memref_slice %arg2[%dma_wait3A_14, %dma_wait3A_15] : memref<100000x128xf32, #tpu.memory_space<hbm>> -> memref<100000x128xf32, #tpu.memory_space<hbm>>
      tpu.wait_indirect_dma semaphore(%arg7 : memref<!tpu.dma_semaphore, #tpu.memory_space<semaphore_mem>>) src(%dma_wait3A_16 : memref<100000x128xf32, #tpu.memory_space<hbm>>) dst(%arg6 : memref<128x128xf32, #tpu.memory_space<vmem>>)
      %mul3A_17 = arith.constant 128 : i32
      %mul3A_18 = arith.muli %scan3A_8, %mul3A_17 : i32
      %add3A_19 = arith.addi %mul3A_2, %mul3A_18 : i32
      "tpu.region"() ({
        %run_scoped3A = tpu.sem_alloc : memref<!tpu.dma_semaphore, #tpu.memory_space<semaphore_mem>>
        %dma_start3A_20 = arith.constant 0 : i32
        %dma_start3A_21 = tpu.memref_slice %arg4[%add3A_19, %dma_start3A_20] : memref<200704x128xf32, #tpu.memory_space<hbm>> -> memref<128x128xf32, #tpu.memory_space<hbm>>
        %dma_start3A_22 = arith.constant 0 : i32
        %dma_start3A_23 = tpu.memref_slice %arg4[%add3A_19, %dma_start3A_22] : memref<200704x128xf32, #tpu.memory_space<hbm>> -> memref<128x128xf32, #tpu.memory_space<hbm>>
        tpu.enqueue_dma source(%arg6 : memref<128x128xf32, #tpu.memory_space<vmem>>) target(%dma_start3A_23 : memref<128x128xf32, #tpu.memory_space<hbm>>) target_semaphore(%run_scoped3A : memref<!tpu.dma_semaphore, #tpu.memory_space<semaphore_mem>>)
        %dma_wait3A_24 = arith.constant 0 : i32
        %dma_wait3A_25 = tpu.memref_slice %arg4[%add3A_19, %dma_wait3A_24] : memref<200704x128xf32, #tpu.memory_space<hbm>> -> memref<128x128xf32, #tpu.memory_space<hbm>>
        %dma_wait3A_26 = arith.constant 0 : i32
        %dma_wait3A_27 = tpu.memref_slice %arg4[%add3A_19, %dma_wait3A_26] : memref<200704x128xf32, #tpu.memory_space<hbm>> -> memref<128x128xf32, #tpu.memory_space<hbm>>
        tpu.wait_dma2 semaphore(%run_scoped3A : memref<!tpu.dma_semaphore, #tpu.memory_space<semaphore_mem>>) src(%arg6 : memref<128x128xf32, #tpu.memory_space<vmem>>) dst(%dma_wait3A_27 : memref<128x128xf32, #tpu.memory_space<hbm>>)
        tpu.yield
      }) : () -> ()
    }
    %scan3A_7 = arith.constant 49 : i32
    return
  }
}

</mosaic_0001>

<sc_bundles>
// kernel: _gather_rows.3.cloned.1.call-start
scs
__scs_entry_jumppad:
0x0: {  	(pc) =	sbr.rel $0x88, $3  }
0x1: {  	(tag) =	ssettag $0x0;
	lr =	simm.s32 $0x1  }
0x2: {  	[smem:$0x3F9F] =	sst lr;
	_ =	strace $0xD0000000  }
0x3: {  	_ = 	snop  }
0x4: {  	_ = 	snop  }
0x5: {  	_ = 	snop  }
0x6: {  	_ = 	snop  }
0x7: {  	_ = 	snop  }
__scs_overlays_trampoline_lowered:
0x8: {  	[smem:$0x3FAE] =	sst s0  }
0x9: {  	[smem:$0x3FAF] =	sst s1  }
0xa: {  	[smem:$0x3FB0] =	sst s2  }
0xb: {  	[smem:$0x3FB1] =	sst s3  }
0xc: {  	[smem:$0x3FB2] =	sst s4  }
0xd: {  	[smem:$0x3FB3] =	sst s5  }
0xe: {  	[smem:$0x3FB4] =	sst s6  }
0xf: {  	[smem:$0x3FB5] =	sst s7  }
0x10: {  	[smem:$0x3FB6] =	sst s8  }
0x11: {  	[smem:$0x3FB7] =	sst s9;
	s0 =	simm.s32 @!p0 $0x0  }
0x12: {  	s1 =	sld [smem:$0x3F9D];
	s0 =	simm.s32 @p0 $0x1  }
0x13: {  	[smem:$0x3FB8] =	sst s0;
	s0 =	simm.s32 @!p1 $0x0  }
0x14: {  	s2 =	sld [smem:$0x3F9C];
	s0 =	simm.s32 @p1 $0x1  }
0x15: {  	[smem:$0x3FB9] =	sst s0;
	s0 =	simm.s32 @!p2 $0x0  }
0x16: {  	s3 =	sld [smem:$0x3FDB];
	s0 =	simm.s32 @p2 $0x1  }
0x17: {  	s4 =	simm.s32 $0x1BF5;
	[smem:$0x3FBB] =	sst s0  }
0x18: {  	s0 =	sld [smem:$0x3F9E];
	_ =	swait.ge [sflag:s4], $0x0  }
0x19: {  	s7 =	sld [smem:$0x3F9F]  }
0x1a: {  	s8 =	sadd.s32 $0xFFFFE003, lr  }
0x1b: {  	s9 =	sadd.s32 $0xFFFFFEF7, lr;
	s5 =	simm.s32 $0xFFFFFFFF;
	p2 =	slt.u32 s8, $0xFFFFF086  }
0x1c: {  	p1 =	slt.u32 s9, $0xF7A;
	s5 =	simm.s32 @!p2 $0x0  }
0x1d: {  	s5 =	simm.s32 @p1 $0x1;
	p0 =	seq.s32 s7, s2  }
0x1e: {  	s7 =	smul.u32 @!p0 $0xF7A, s2;
	p2 =	seq.s32 @!p0 s5, $0x0  }
0x1f: {  	s9 =	smul.u32 $0xF7A, s1;
	s8 =	simm.s32 @!p0 $0x1BF5;
	p2 =	por !p2, p0  }
0x20: {  	[sflag:s8] =	ssyncset.s32 @!p0 $0xFFFFF086;
	s6 =	sadd.s32 @!p0 s3, s7;
	s7 =	simm.s32 @!p0 $0x108  }
0x21: {  	s3 =	sadd.s32 s3, s9;
	s6 =	sadd.s32 @!p0 $0x88, s6;
	s7 =	simm.s32 @p2 $0x1082  }
0x22: {  	[simem:s7], [sflag:s8] =	dma.local @!p0 [hbm:s6], $0xF7A  }
0x23: {  	s9 =	sor.u32 $0xD0000000, s2;
	s6 =	simm.s32 $0x108;
	_ =	swait.ge @!p0 [sflag:s8], $0x0  }
0x24: {  	s3 =	sadd.s32 $0x88, s3;
	s6 =	simm.s32 @!p1 $0x1082;
	[sflag:s4] =	ssyncset.s32 $0xFFFFF086  }
0x25: {  	[simem:s6], [sflag:s4] =	dma.local [hbm:s3], $0xF7A  }
0x26: {  	[smem:$0x3F9F] =	sst s1;
	(tag) =	ssettag s2;
	_ =	strace s9  }
0x27: {  	s1 =	sld [smem:$0x3FAF]  }
0x28: {  	s2 =	sld [smem:$0x3FB0]  }
0x29: {  	s4 =	sld [smem:$0x3FB2]  }
0x2a: {  	p0 =	seq.s32 s5, $0x0;
	s5 =	sld [smem:$0x3FB3]  }
0x2b: {  	s6 =	sld [smem:$0x3FB4]  }
0x2c: {  	s7 =	sld [smem:$0x3FB5]  }
0x2d: {  	s3 =	simm.s32 $0x108;
	s8 =	sld [smem:$0x3FB6]  }
0x2e: {  	s3 =	simm.s32 @!p0 $0x1082;
	s9 =	sld [smem:$0x3FB7]  }
0x2f: {  	lr =	sadd.s32 s0, s3;
	s0 =	sld [smem:$0x3FAE]  }
0x30: {  	s3 =	sld [smem:$0x3FB1]  }
0x31: {  	[smem:$0x3FBA] =	sst s10  }
0x32: {  	s10 =	sld [smem:$0x3FB8];
	_ =	sdelay $0x3  }
0x33: {  	p0 =	seq.s32 s10, $0x1;
	s10 =	sld [smem:$0x3FBA];
	_ =	sdelay $0x3  }
0x34: {  	[smem:$0x3FBA] =	sst s10  }
0x35: {  	s10 =	sld [smem:$0x3FB9];
	_ =	sdelay $0x3  }
0x36: {  	p1 =	seq.s32 s10, $0x1;
	s10 =	sld [smem:$0x3FBA];
	_ =	sdelay $0x3  }
0x37: {  	[smem:$0x3FBA] =	sst s10  }
0x38: {  	s10 =	sld [smem:$0x3FBB]  }
0x39: {  	_ = 	snop;
	(pc) =	sbr.ind lr, $3  }
0x3a: {  	_ = 	snop  }
0x3b: {  	_ = 	snop  }
0x3c: {  	p2 =	seq.s32 s10, $0x1;
	s10 =	sld [smem:$0x3FBA]  }
0x3d: {  	_ =	shalt  }
0x3e: {  	_ =	shalt  }
0x3f: {  	_ =	shalt  }
0x40: {  	_ =	shalt  }
0x41: {  	_ =	shalt  }
0x42: {  	_ =	shalt  }
0x43: {  	_ =	shalt  }
0x44: {  	_ =	shalt  }
0x45: {  	_ =	shalt  }
0x46: {  	_ =	shalt  }
0x47: {  	_ =	shalt  }
0x48: {  	_ =	shalt  }
0x49: {  	_ =	shalt  }
0x4a: {  	_ =	shalt  }
0x4b: {  	_ =	shalt  }
0x4c: {  	_ =	shalt  }
0x4d: {  	_ =	shalt  }
0x4e: {  	_ =	shalt  }
0x4f: {  	_ =	shalt  }
0x50: {  	_ =	shalt  }
0x51: {  	_ =	shalt  }
0x52: {  	_ =	shalt  }
0x53: {  	_ =	shalt  }
0x54: {  	_ =	shalt  }
0x55: {  	_ =	shalt  }
0x56: {  	_ =	shalt  }
0x57: {  	_ =	shalt  }
0x58: {  	_ =	shalt  }
0x59: {  	_ =	shalt  }
0x5a: {  	_ =	shalt  }
0x5b: {  	_ =	shalt  }
0x5c: {  	_ =	shalt  }
0x5d: {  	_ =	shalt  }
0x5e: {  	_ =	shalt  }
0x5f: {  	_ =	shalt  }
0x60: {  	_ =	shalt  }
0x61: {  	_ =	shalt  }
0x62: {  	_ =	shalt  }
0x63: {  	_ =	shalt  }
0x64: {  	_ =	shalt  }
0x65: {  	_ =	shalt  }
0x66: {  	_ =	shalt  }
0x67: {  	_ =	shalt  }
0x68: {  	_ =	shalt  }
0x69: {  	_ =	shalt  }
0x6a: {  	_ =	shalt  }
0x6b: {  	_ =	shalt  }
0x6c: {  	_ =	shalt  }
0x6d: {  	_ =	shalt  }
0x6e: {  	_ =	shalt  }
0x6f: {  	_ =	shalt  }
0x70: {  	_ =	shalt  }
0x71: {  	_ =	shalt  }
0x72: {  	_ =	shalt  }
0x73: {  	_ =	shalt  }
0x74: {  	_ =	shalt  }
0x75: {  	_ =	shalt  }
0x76: {  	_ =	shalt  }
0x77: {  	_ =	shalt  }
0x78: {  	_ =	shalt  }
0x79: {  	_ =	shalt  }
0x7a: {  	_ =	shalt  }
0x7b: {  	_ =	shalt  }
0x7c: {  	_ =	shalt  }
0x7d: {  	_ =	shalt  }
0x7e: {  	_ =	shalt  }
0x7f: {  	_ =	shalt  }
0x80: {  	_ =	shalt  }
0x81: {  	_ =	shalt  }
0x82: {  	_ =	shalt  }
0x83: {  	_ =	shalt  }
0x84: {  	_ =	shalt  }
0x85: {  	_ =	shalt  }
0x86: {  	_ =	shalt  }
0x87: {  	_ =	shalt  }
.Lfunc_end0:
.L_simem_size_0:
called_computation_lowered:
.L_overlay_start_0:
0x88: {  	s2 =	sld [smem:$0x3FD9]  }
0x89: {  	s3 =	sld [smem:$0x3FFE];
	_ =	sdelay $0x1  }
0x8a: {  	s1 =	srdreg.scid  }
0x8b: {  	s0 =	sand.u32 $0x1, s1  }
0x8c: {  	s17 =	sshll.u32 s0, $0xA;
	s2 =	sadd.s32 s3, s2  }
0x8d: {  	s2 =	sadd.s32 s2, s17  }
0x8e: {  	[smem:$0x3FC6] =	sst s2  }
0x8f: {  	_ = 	snop  }
0x90: {  	s2 =	sld [smem:$0x3FC9]  }
0x91: {  	s18 =	sld [smem:$0x3FD0];
	(tm) =	ssettm $0x1  }
0x92: {  	s4 =	sld [smem:$0x3FFB];
	_ =	sdelay $0x3  }
0x93: {  	_ =	strace s4  }
0x94: {  	s4 =	sld [smem:$0x3FFC];
	_ =	sdelay $0x3  }
0x95: {  	_ =	strace s4  }
0x96: {  	s4 =	sld [smem:$0x3FFD];
	_ =	sdelay $0x3  }
0x97: {  	_ =	strace s4  }
0x98: {  	_ =	strace $0x8FFFFFFF  }
0x99: {  	s19 =	sld [smem:$0x3FDB];
	_ =	sdelay $0x1  }
0x9a: {  	s5 =	simm.s32 $_scs_section_size  }
0x9b: {  	s6 =	simm.s32 $_size__tile_overlayer_lowered;
	s7 =	simm.s32 $_tile_overlayer_lowered  }
0x9c: {  	s22 =	simm.s32 $0x1BFF;
	s21 =	sshll.u32 s7, $0x1;
	s4 =	sadd.s32 s5, s19  }
0x9d: {  	s8 =	simm.s32 $0x0;
	s20 =	sshll.u32 s6, $0x1;
	s6 =	sadd.s32 s21, s4  }
0x9e: {  	[timem:s8], [sflag:s22] =	dma.local [hbm:s6], s20  }
0x9f: {  	_ =	swait.ge [sflag:s22], s20  }
0xa0: {  	s5 =	ssub.s32 $0x0, s20;
	[sflag:s22] =	ssyncset.done $0x0  }
0xa1: {  	[sflag:s22] =	ssyncadd.s32 s5;
	_ =	sdelay $0x1  }
0xa2: {  	s23 =	simm.s32 $0x1B8B  }
0xa3: {  	_ =	swait.ge [sflag:s23], $0x1  }
0xa4: {  	[sflag:s23] =	ssyncset.done $0x0  }
0xa5: {  	s25 =	simm.s32 $0x1B8E;
	s24 =	sld [smem:$0x3FFE];
	[sflag:s23] =	ssyncadd.s32 $0xFFFFFFFF  }
0xa6: {  	s26 =	simm.s32 $execute0_lowered;
	[smem:$0x3FD2] =	sst s25  }
0xa7: {  	s6 =	sshll.u32 s26, $0x1;
	_ =	strace $0x80000046;
	[dreg:$0x1] =	wrdreg $0xFFFFFFFF  }
0xa8: {  	s28 =	simm.s32 $_size_execute0_lowered;
	s4 =	sadd.s32 s4, s6;
	[dreg:$0x0] =	wrdreg $0x0  }
0xa9: {  	s6 =	sshll.u32 s28, $0x1;
	[dreg:$0x2] =	wrdreg s4  }
0xaa: {  	[dreg:$0x3] =	wrdreg s6  }
0xab: {  	[dreg:$0x4] =	wrdreg $0xC0  }
0xac: {  	_ =	task [dreg:s8], $0x5FFFF  }
0xad: {  	[dreg:$0x1] =	wrdreg $0xFFFFFFFF  }
0xae: {  	[dreg:$0x0] =	wrdreg $0x60  }
0xaf: {  	[dreg:$0x2] =	wrdreg s2  }
0xb0: {  	[dreg:$0x3] =	wrdreg s24  }
0xb1: {  	[dreg:$0x4] =	wrdreg s18  }
0xb2: {  	[dreg:$0x5] =	wrdreg $0x9  }
0xb3: {  	_ =	task.clear_ibuf [dreg:s8], $0x6FFFF;
	_ =	strace $0x90000046  }
0xb4: {  	s29 =	simm.s32 $0x9;
	_ =	strace $0x80000048  }
0xb5: {  	_ =	swait.ge [sflag:s29], $0x1  }
0xb6: {  	[sflag:s29] =	ssyncadd.s32 $0xFFFFFFFF  }
0xb7: {  	_ =	strace $0x90000048  }
0xb8: {  	_ =	sfence  }
0xb9: {  	s30 =	sld [smem:$0x0];
	_ =	sdelay $0x2  }
0xba: {  	s31 =	sshll.u32 s1, $0xD;
	s1 =	sshrl.u32 s1, $0x2  }
0xbb: {  	s3 =	sand.u32 $0x4000, s31;
	s1 =	sadd.s32 s1, s30  }
0xbc: {  	s0 =	sor.u32 s3, s0;
	s1 =	sshll.u32 s1, $0x11  }
0xbd: {  	s0 =	sor.u32 s1, s0  }
0xbe: {  	s0 =	sadd.s32 $0x8F2B, s0  }
0xbf: {  	[sflag:s0] =	ssyncadd.remote.s32 $0x1  }
0xc0: {  	_ =	sfence.sel $0xFFFF  }
0xc1: {  	[dreg:$0x0] =	wrdreg $0xFFFFFFFF;
	(pc) =	sbr.abs _section_cstart, $3  }
0xc2: {  	[dreg:$0x1] =	wrdreg $0xFFFFFFFF  }
0xc3: {  	_ =	task.clear_ibuf [dreg:s8], $0x2FFFF;
	_ =	strace $0x9FFFFFFF  }
0xc4: {  	(tm) =	ssettm $0x7FFFFFFF  }
0xc5: {  	_ =	shalt  }
tec
execute0_lowered:
.L_overlay_start_1:
0x0: {  	(tag) =	ssettag $0x1  }
0x1: {  	s1 =	rddreg [dreg:$0x0]  }
0x2: {  	s2 =	srdreg.scid;
	s5 =	rddreg [dreg:$0x1]  }
0x3: {  	s0 =	stileid.u32;
	s6 =	rddreg [dreg:$0x2]  }
0x4: {  	s3 =	simm.s32 $0x0;
	s11 =	simm.s32 $0x0;
	s4 =	sand.u32 $0x1, s2  }
0x5: {  	s29 =	sshll.u32 s0, $0x1;
	s8 =	smul.u32 $0x188000, s0;
	[smem:$0x7FF] =	sst s3  }
0x6: {  	s2 =	sor.u32 s4, s29;
	s9 =	ssub.s32 $0x2, s4;
	s4 =	smul.u32 $0xC4000, s4  }
0x7: {  	s7 =	smul.u32 $0x310, s2;
	s2 =	rddreg [dreg:$0x3];
	s10 =	sshrl.u32 s9, $0x1  }
0x8: {  	_ =	strace $0x80000047;
	s30 =	ssub.s32 s9, s10;
	s8 =	sadd.s32 s4, s8  }
0x9: {  	s9 =	simm.s32 $0x1880;
	s10 =	simm.s32 $0x1;
	s5 =	sadd.s32 s7, s5  }
0xa: {  	s31 =	sshrl.u32 s8, $0x3;
	s7 =	simm.s32 $0x2;
	s8 =	simm.s32 $0x80  }
0xb: {  	s4 =	sadd.s32 $0x400, s5;
	s5 =	smax.u32 s30, $0x1;
	s6 =	sadd.s32 s31, s6  }
.LBB2_1:
0xc: {  	[tilespmem:s3], [sflag:$0x2] =	stream.linear.gather [hbm4b:s4+s3], $0x1880, $0x38;
	[tilespmem:$0x5880] =	vst v63  }
0xd: {  	_ =	swait.ge [sflag:s7], $0x1880  }
0xe: {  	[sflag:s7] =	ssyncset.done $0x0  }
0xf: {  	s12 =	simm.s32 $0x0;
	[sflag:s7] =	ssyncadd.s32 $0xFFFFE780  }
0x10: {  	[tilespmem:s9], [sflag:$0x1] =	stream.indirect.gather [hbm4b:s1+s8], $0x80, s12, s8, $0xb8;
	[tilespmem:$0x5880] =	vst v63  }
0x11: {  	_ =	swait.ge [sflag:s10], $0x4000  }
0x12: {  	[sflag:s10] =	ssyncset.done $0x0  }
0x13: {  	[sflag:s10] =	ssyncadd.s32 $0xFFFFC000  }
0x14: {  	[hbm4b:s6+s3] =	stream.linear.scatter [tilespmem:s9], [sflag:$0x2], $0x4000, $0x38;
	[tilespmem:$0x5880] =	vst v63  }
0x15: {  	s13 =	simm.s32 $0x200;
	_ =	swait.ge [sflag:s7], $0x4000  }
0x16: {  	s14 =	simm.s32 $0x400;
	s12 =	sadd.s32 $0x800, s6;
	[sflag:s7] =	ssyncset.done $0x0  }
.LBB2_2:
0x17: {  	s15 =	sshra.s32 s13, $0x2  }
0x18: {  	[sflag:s7] =	ssyncadd.s32 $0xFFFFC000;
	s13 =	smov.u32 s14;
	s16 =	sadd.s32 $0x200, s14  }
0x19: {  	[tilespmem:s9], [sflag:$0x1] =	stream.indirect.gather [hbm4b:s1+s8], $0x80, s15, s8, $0xb8;
	[tilespmem:$0x5880] =	vst v63  }
0x1a: {  	p0 =	sne.s32 s14, $0x6000;
	_ =	swait.ge [sflag:s10], $0x4000  }
.Ltmp0:
0x1b: {  	[sflag:s10] =	ssyncset.done $0x0;
	(pc) =	sbr.rel @p0 .LBB2_2-.Ltmp0, $4  }
0x1c: {  	[sflag:s10] =	ssyncadd.s32 $0xFFFFC000  }
0x1d: {  	[hbm4b:s12+s3] =	stream.linear.scatter [tilespmem:s9], [sflag:$0x2], $0x4000, $0x38;
	[tilespmem:$0x5880] =	vst v63  }
0x1e: {  	_ =	swait.ge [sflag:s7], $0x4000  }
0x1f: {  	s14 =	smov.u32 s16;
	s12 =	sadd.s32 $0x800, s12;
	[sflag:s7] =	ssyncset.done $0x0  }
0x20: {  	s13 =	sshra.s32 s13, $0x2;
	[sflag:s7] =	ssyncadd.s32 $0xFFFFC000  }
0x21: {  	[tilespmem:s9], [sflag:$0x1] =	stream.indirect.gather [hbm4b:s1+s8], $0x80, s13, s8, $0xb8;
	[tilespmem:$0x5880] =	vst v63  }
0x22: {  	s11 =	sadd.s32 $0x1, s11;
	_ =	swait.ge [sflag:s10], $0x4000  }
0x23: {  	p0 =	sne.s32 s11, s5;
	[sflag:s10] =	ssyncset.done $0x0  }
.Ltmp1:
0x24: {  	[sflag:s10] =	ssyncadd.s32 $0xFFFFC000;
	(pc) =	sbr.rel @p0 .LBB2_1-.Ltmp1, $4  }
0x25: {  	[hbm4b:s12+s3] =	stream.linear.scatter [tilespmem:s9], [sflag:$0x2], $0x4000, $0x38;
	[tilespmem:$0x5880] =	vst v63  }
0x26: {  	_ =	swait.ge [sflag:s7], $0x4000  }
0x27: {  	[sflag:s7] =	ssyncset.done $0x0  }
0x28: {  	[sflag:s7] =	ssyncadd.s32 $0xFFFFC000  }
0x29: {  	_ =	sfence.sel $0x180000  }
0x2a: {  	[bflag:$0x0] =	sbarrier.arrive $0xFFFF  }
0x2b: {  	p0 =	sne.s32 s0, $0x0;
	_ =	strace $0x90000047  }
0x2c: {  	s0 =	sadd.s32 @!p0 $0x100000, s2;
	[bflag:$0x2] =	sbarrier.arrive $0xFFFF  }
0x2d: {  	[sflag:s0] =	ssyncadd.tile.s32 @!p0 $0x1;
	_ =	shalt  }
.Lfunc_end2:
_tile_overlayer_lowered:
.L_overlay_start_2:
0x2e: {  	(tag) =	ssettag $0x2  }
0x2f: {  	s0 =	rddreg [dreg:$0x0];
	s2 =	stileid.u32  }
0x30: {  	s1 =	rddreg [dreg:$0x1];
	p0 =	sne.s32 s2, $0x0  }
0x31: {  	s3 =	rddreg [dreg:$0x2];
	[bflag:$0x3] =	sbarrier.arrive $0xFFFF;
	s2 =	simm.s32 @!p0 $0x1C02  }
0x32: {  	[timem:s3], [sflag:s2] =	dma.local @!p0 [hbm:s0], s1  }
0x33: {  	s0 =	simm.s32 @!p0 $0x2  }
0x34: {  	_ =	swait.ge @!p0 [sflag:s0], s1  }
0x35: {  	s1 =	ssub.s32 @!p0 $0x0, s1;
	[sflag:s0] =	ssyncset.done @!p0 $0x0  }
0x36: {  	[sflag:s0] =	ssyncadd.s32 @!p0 s1  }
0x37: {  	[bflag:$0x3] =	sbarrier.arrive $0xFFFF  }
0x38: {  	_ =	shalt  }

</sc_bundles>
